<compile_context>
chip_gen: v7x
topology: tpu7x:2x2x1
jax: 0.10.2.dev20260603
libtpu: 0.0.44.dev20260713+nightly
codegen_flags: <defaults>
</compile_context>

<pallas_src>
import functools
import jax
import jax.numpy as jnp
import numpy as np
from jax import lax
from jax.experimental import pallas as pl
from jax.experimental.pallas import tpu as pltpu, tpu_sc as plsc

_SCALE = float(2.0 ** -2.5)

_B, _T = 128, 32768
_F = _T // 32
_TC_ROWS = 96
_SC_ROWS = _B - _TC_ROWS
_mesh = plsc.VectorSubcoreMesh(core_axis_name="c", subcore_axis_name="s")

_REL = np.concatenate(
    [
        np.array([33 * l + j - 32 * ((l + j) >= 32) for l in range(16)], np.int32)
        for j in range(32)
    ]
)



def _tc_body(x_ref, o_ref):
    xb = x_ref[...]
    xt = jnp.transpose(xb)
    s = xt.reshape(xt.shape[0] // 32, 32, xt.shape[1]).sum(axis=1) * _SCALE
    o_ref[...] = jnp.transpose(s)


def _tc_part(x):
    CB = 16384
    return pl.pallas_call(
        _tc_body,
        grid=(_T // CB,),
        in_specs=[pl.BlockSpec((_TC_ROWS, CB), lambda i: (0, i))],
        out_specs=pl.BlockSpec((_TC_ROWS, CB // 32), lambda i: (0, i)),
        out_shape=jax.ShapeDtypeStruct((_B, _F), jnp.float32),
        compiler_params=pltpu.CompilerParams(
            dimension_semantics=("parallel",),
        ),
    )(x)



@functools.partial(
    pl.kernel,
    out_type=jax.ShapeDtypeStruct((_SC_ROWS, _F), jnp.float32),
    mesh=_mesh,
    scratch_types=[
        pltpu.VMEM((_T,), jnp.float32),
        pltpu.VMEM((_F,), jnp.float32),
        pltpu.VMEM((32 * 16,), jnp.int32),
        pltpu.SemaphoreType.DMA,
    ],
    compiler_params=pltpu.CompilerParams(
        needs_layout_passes=False,
        skip_device_barrier=True,
    ),
)
def _sc_reduce(x_hbm, rel_hbm, o_hbm, buf, outb, relv, sem):
    wid = lax.axis_index("s") * 2 + lax.axis_index("c")
    row = _TC_ROWS + wid
    pltpu.sync_copy(rel_hbm, relv)
    rel = [relv[pl.ds(j * 16, 16)] for j in range(32)]
    pltpu.async_copy(x_hbm.at[row], buf, sem).wait()

    def g_body(g, _):
        base = g * 512
        a0 = plsc.load_gather(buf, [base + rel[0]])
        a1 = plsc.load_gather(buf, [base + rel[1]])
        a2 = plsc.load_gather(buf, [base + rel[2]])
        a3 = plsc.load_gather(buf, [base + rel[3]])
        for j in range(4, 32, 4):
            a0 = a0 + plsc.load_gather(buf, [base + rel[j]])
            a1 = a1 + plsc.load_gather(buf, [base + rel[j + 1]])
            a2 = a2 + plsc.load_gather(buf, [base + rel[j + 2]])
            a3 = a3 + plsc.load_gather(buf, [base + rel[j + 3]])
        outb[pl.ds(g * 16, 16)] = ((a0 + a1) + (a2 + a3)) * _SCALE
        return 0

    lax.fori_loop(0, _F // 16, g_body, 0)
    pltpu.sync_copy(outb, o_hbm.at[wid])


def kernel(x):
    full = _tc_part(x)
    bot = _sc_reduce(x, jnp.asarray(_REL))
    out = lax.dynamic_update_slice(full, bot, (_TC_ROWS, 0))
    return out[:, :, None]

# --- scband reference (transcript-rebuilt; emitter-appended) ---
"""Pipeline reference for scband-sstmodel-2121713844405 (READ-ONLY COPY).

The authoritative reference and input builder live on the scoring server;
editing this copy changes nothing except your own understanding.
"""

import jax, jax.numpy as jnp
import numpy as np

_INV_SQRT2 = 1.0 / np.sqrt(2.0)


def _haar_dwt(x):
    # pywt db1 (Haar) single-level DWT for even-length signals:
    # cA[i] = (x[2i] + x[2i+1]) / sqrt(2), cD[i] = (x[2i] - x[2i+1]) / sqrt(2)
    even = x[:, 0::2]
    odd = x[:, 1::2]
    cA = (even + odd) * _INV_SQRT2
    cD = (even - odd) * _INV_SQRT2
    return cA, cD


def setup_inputs(seed: int = 0) -> dict:
    key = jax.random.key(seed)
    x = jax.random.normal(key, (128, 32768), dtype=jnp.float32)
    return {"x": x}


def reference(x):
    level = 5
    # pywt.wavedec(x[i], 'db1', level=5) -> [cA5, cD5, cD4, cD3, cD2, cD1]
    a = x
    details = []
    for _ in range(level):
        a, d = _haar_dwt(a)
        details.append(d)
    coeffs = [a] + details[::-1]
    # All batch rows have identical lengths, so padding/truncation steps are no-ops.
    # Each 1-D coeff is unsqueezed to [len, 1]; stacking over batch gives [B, len, 1].
    stacked0 = coeffs[0][:, :, None]  # [B, F, 1], F = T / 32
    # instantaneous_frequency = pad(diff(angle(stacked0), axis=-1), (0, 1))
    ang = jnp.angle(stacked0)
    inst = jnp.diff(ang, axis=-1)            # size-0 along last axis
    inst = jnp.pad(inst, ((0, 0), (0, 0), (0, 1)))  # -> zeros, shape [B, F, 1]
    B, Fdim, _ = stacked0.shape
    # k = clamp(f + inst[:, f, t], 0, F-1) per batch row; vectorized over f, t=0
    k = jnp.clip(jnp.arange(Fdim)[None, :] + inst[:, :, 0].astype(jnp.int32), 0, Fdim - 1)  # [B, F]
    sst = jnp.zeros((B, Fdim), dtype=stacked0.dtype)
    sst = sst.at[jnp.arange(B)[:, None], k].add(stacked0[:, :, 0])
    return sst[:, :, None]

if __name__ == "__main__":
    import jax
    _d = setup_inputs()
    print(jax.jit(kernel)(*tuple(_d.values())))

</pallas_src>

<mosaic_0001>
#map = affine_map<(d0, d1) -> (0, 0)>
#map1 = affine_map<(d0, d1) -> (0)>
module attributes {stable_mosaic.version = 14 : i64} {
  func.func @_sc_reduce(%arg0: i32, %arg1: i32, %arg2: memref<128x32768xf32, #tpu.memory_space<hbm>>, %arg3: memref<512xi32, #tpu.memory_space<hbm>>, %arg4: memref<32x1024xf32, #tpu.memory_space<hbm>>, %arg5: memref<32768xf32, #tpu.memory_space<vmem>>, %arg6: memref<1024xf32, #tpu.memory_space<vmem>>, %arg7: memref<512xi32, #tpu.memory_space<vmem>>, %arg8: memref<!tpu.dma_semaphore, #tpu.memory_space<semaphore_mem>>) attributes {dimension_semantics = [#tpu.dimension_semantics<core_parallel>, #tpu.dimension_semantics<subcore_parallel>], iteration_bounds = array<i64: 2, 16>, scalar_prefetch = 0 : i64, scratch_operands = 4 : i64, tpu.core_type = #tpu.core_type<sc_vector_subcore>, window_params = [{transform_indices = #map}, {transform_indices = #map1}, {transform_indices = #map}]} {
    %mul3A = arith.constant 2 : i32
    %mul3A_0 = arith.muli %arg1, %mul3A : i32
    %add3A = arith.addi %mul3A_0, %arg0 : i32
    %add3A_1 = arith.constant 96 : i32
    %add3A_2 = arith.addi %add3A_1, %add3A : i32
    "tpu.region"() ({
      %run_scoped3A = tpu.sem_alloc : memref<!tpu.dma_semaphore, #tpu.memory_space<semaphore_mem>>
      tpu.enqueue_dma source(%arg3 : memref<512xi32, #tpu.memory_space<hbm>>) target(%arg7 : memref<512xi32, #tpu.memory_space<vmem>>) target_semaphore(%run_scoped3A : memref<!tpu.dma_semaphore, #tpu.memory_space<semaphore_mem>>)
      tpu.wait_dma2 semaphore(%run_scoped3A : memref<!tpu.dma_semaphore, #tpu.memory_space<semaphore_mem>>) src(%arg3 : memref<512xi32, #tpu.memory_space<hbm>>) dst(%arg7 : memref<512xi32, #tpu.memory_space<vmem>>)
      tpu.yield
    }) : () -> ()
    %get3A = arith.constant 0 : index
    %get3A_3 = tpu.vector_load %arg7[%get3A] {strides = array<i32>} : memref<512xi32, #tpu.memory_space<vmem>>, vector<16xi32>,
    %get3A_4 = arith.constant 16 : index
    %get3A_5 = tpu.vector_load %arg7[%get3A_4] {strides = array<i32>} : memref<512xi32, #tpu.memory_space<vmem>>, vector<16xi32>,
    %get3A_6 = arith.constant 32 : index
    %get3A_7 = tpu.vector_load %arg7[%get3A_6] {strides = array<i32>} : memref<512xi32, #tpu.memory_space<vmem>>, vector<16xi32>,
    %get3A_8 = arith.constant 48 : index
    %get3A_9 = tpu.vector_load %arg7[%get3A_8] {strides = array<i32>} : memref<512xi32, #tpu.memory_space<vmem>>, vector<16xi32>,
    %get3A_10 = arith.constant 64 : index
    %get3A_11 = tpu.vector_load %arg7[%get3A_10] {strides = array<i32>} : memref<512xi32, #tpu.memory_space<vmem>>, vector<16xi32>,
    %get3A_12 = arith.constant 80 : index
    %get3A_13 = tpu.vector_load %arg7[%get3A_12] {strides = array<i32>} : memref<512xi32, #tpu.memory_space<vmem>>, vector<16xi32>,
    %get3A_14 = arith.constant 96 : index
    %get3A_15 = tpu.vector_load %arg7[%get3A_14] {strides = array<i32>} : memref<512xi32, #tpu.memory_space<vmem>>, vector<16xi32>,
    %get3A_16 = arith.constant 112 : index
    %get3A_17 = tpu.vector_load %arg7[%get3A_16] {strides = array<i32>} : memref<512xi32, #tpu.memory_space<vmem>>, vector<16xi32>,
    %get3A_18 = arith.constant 128 : index
    %get3A_19 = tpu.vector_load %arg7[%get3A_18] {strides = array<i32>} : memref<512xi32, #tpu.memory_space<vmem>>, vector<16xi32>,
    %get3A_20 = arith.constant 144 : index
    %get3A_21 = tpu.vector_load %arg7[%get3A_20] {strides = array<i32>} : memref<512xi32, #tpu.memory_space<vmem>>, vector<16xi32>,
    %get3A_22 = arith.constant 160 : index
    %get3A_23 = tpu.vector_load %arg7[%get3A_22] {strides = array<i32>} : memref<512xi32, #tpu.memory_space<vmem>>, vector<16xi32>,
    %get3A_24 = arith.constant 176 : index
    %get3A_25 = tpu.vector_load %arg7[%get3A_24] {strides = array<i32>} : memref<512xi32, #tpu.memory_space<vmem>>, vector<16xi32>,
    %get3A_26 = arith.constant 192 : index
    %get3A_27 = tpu.vector_load %arg7[%get3A_26] {strides = array<i32>} : memref<512xi32, #tpu.memory_space<vmem>>, vector<16xi32>,
    %get3A_28 = arith.constant 208 : index
    %get3A_29 = tpu.vector_load %arg7[%get3A_28] {strides = array<i32>} : memref<512xi32, #tpu.memory_space<vmem>>, vector<16xi32>,
    %get3A_30 = arith.constant 224 : index
    %get3A_31 = tpu.vector_load %arg7[%get3A_30] {strides = array<i32>} : memref<512xi32, #tpu.memory_space<vmem>>, vector<16xi32>,
    %get3A_32 = arith.constant 240 : index
    %get3A_33 = tpu.vector_load %arg7[%get3A_32] {strides = array<i32>} : memref<512xi32, #tpu.memory_space<vmem>>, vector<16xi32>,
    %get3A_34 = arith.constant 256 : index
    %get3A_35 = tpu.vector_load %arg7[%get3A_34] {strides = array<i32>} : memref<512xi32, #tpu.memory_space<vmem>>, vector<16xi32>,
    %get3A_36 = arith.constant 272 : index
    %get3A_37 = tpu.vector_load %arg7[%get3A_36] {strides = array<i32>} : memref<512xi32, #tpu.memory_space<vmem>>, vector<16xi32>,
    %get3A_38 = arith.constant 288 : index
    %get3A_39 = tpu.vector_load %arg7[%get3A_38] {strides = array<i32>} : memref<512xi32, #tpu.memory_space<vmem>>, vector<16xi32>,
    %get3A_40 = arith.constant 304 : index
    %get3A_41 = tpu.vector_load %arg7[%get3A_40] {strides = array<i32>} : memref<512xi32, #tpu.memory_space<vmem>>, vector<16xi32>,
    %get3A_42 = arith.constant 320 : index
    %get3A_43 = tpu.vector_load %arg7[%get3A_42] {strides = array<i32>} : memref<512xi32, #tpu.memory_space<vmem>>, vector<16xi32>,
    %get3A_44 = arith.constant 336 : index
    %get3A_45 = tpu.vector_load %arg7[%get3A_44] {strides = array<i32>} : memref<512xi32, #tpu.memory_space<vmem>>, vector<16xi32>,
    %get3A_46 = arith.constant 352 : index
    %get3A_47 = tpu.vector_load %arg7[%get3A_46] {strides = array<i32>} : memref<512xi32, #tpu.memory_space<vmem>>, vector<16xi32>,
    %get3A_48 = arith.constant 368 : index
    %get3A_49 = tpu.vector_load %arg7[%get3A_48] {strides = array<i32>} : memref<512xi32, #tpu.memory_space<vmem>>, vector<16xi32>,
    %get3A_50 = arith.constant 384 : index
    %get3A_51 = tpu.vector_load %arg7[%get3A_50] {strides = array<i32>} : memref<512xi32, #tpu.memory_space<vmem>>, vector<16xi32>,
    %get3A_52 = arith.constant 400 : index
    %get3A_53 = tpu.vector_load %arg7[%get3A_52] {strides = array<i32>} : memref<512xi32, #tpu.memory_space<vmem>>, vector<16xi32>,
    %get3A_54 = arith.constant 416 : index
    %get3A_55 = tpu.vector_load %arg7[%get3A_54] {strides = array<i32>} : memref<512xi32, #tpu.memory_space<vmem>>, vector<16xi32>,
    %get3A_56 = arith.constant 432 : index
    %get3A_57 = tpu.vector_load %arg7[%get3A_56] {strides = array<i32>} : memref<512xi32, #tpu.memory_space<vmem>>, vector<16xi32>,
    %get3A_58 = arith.constant 448 : index
    %get3A_59 = tpu.vector_load %arg7[%get3A_58] {strides = array<i32>} : memref<512xi32, #tpu.memory_space<vmem>>, vector<16xi32>,
    %get3A_60 = arith.constant 464 : index
    %get3A_61 = tpu.vector_load %arg7[%get3A_60] {strides = array<i32>} : memref<512xi32, #tpu.memory_space<vmem>>, vector<16xi32>,
    %get3A_62 = arith.constant 480 : index
    %get3A_63 = tpu.vector_load %arg7[%get3A_62] {strides = array<i32>} : memref<512xi32, #tpu.memory_space<vmem>>, vector<16xi32>,
    %get3A_64 = arith.constant 496 : index
    %get3A_65 = tpu.vector_load %arg7[%get3A_64] {strides = array<i32>} : memref<512xi32, #tpu.memory_space<vmem>>, vector<16xi32>,
    %dma_start3A = arith.constant 0 : i32
    %dma_start3A_66 = tpu.memref_slice %arg2[%add3A_2, %dma_start3A] : memref<128x32768xf32, #tpu.memory_space<hbm>> -> memref<1x32768xf32, #tpu.memory_space<hbm>>
    %dma_start3A_67 = tpu.memref_squeeze %dma_start3A_66 : memref<1x32768xf32, #tpu.memory_space<hbm>> -> memref<32768xf32, #tpu.memory_space<hbm>>
    %dma_start3A_68 = arith.constant 0 : i32
    %dma_start3A_69 = tpu.memref_slice %arg2[%add3A_2, %dma_start3A_68] : memref<128x32768xf32, #tpu.memory_space<hbm>> -> memref<1x32768xf32, #tpu.memory_space<hbm>>
    %dma_start3A_70 = tpu.memref_squeeze %dma_start3A_69 : memref<1x32768xf32, #tpu.memory_space<hbm>> -> memref<32768xf32, #tpu.memory_space<hbm>>
    tpu.enqueue_dma source(%dma_start3A_70 : memref<32768xf32, #tpu.memory_space<hbm>>) target(%arg5 : memref<32768xf32, #tpu.memory_space<vmem>>) target_semaphore(%arg8 : memref<!tpu.dma_semaphore, #tpu.memory_space<semaphore_mem>>)
    %dma_wait3A = arith.constant 0 : i32
    %dma_wait3A_71 = tpu.memref_slice %arg2[%add3A_2, %dma_wait3A] : memref<128x32768xf32, #tpu.memory_space<hbm>> -> memref<1x32768xf32, #tpu.memory_space<hbm>>
    %dma_wait3A_72 = tpu.memref_squeeze %dma_wait3A_71 : memref<1x32768xf32, #tpu.memory_space<hbm>> -> memref<32768xf32, #tpu.memory_space<hbm>>
    %dma_wait3A_73 = arith.constant 0 : i32
    %dma_wait3A_74 = tpu.memref_slice %arg2[%add3A_2, %dma_wait3A_73] : memref<128x32768xf32, #tpu.memory_space<hbm>> -> memref<1x32768xf32, #tpu.memory_space<hbm>>
    %dma_wait3A_75 = tpu.memref_squeeze %dma_wait3A_74 : memref<1x32768xf32, #tpu.memory_space<hbm>> -> memref<32768xf32, #tpu.memory_space<hbm>>
    tpu.wait_dma2 semaphore(%arg8 : memref<!tpu.dma_semaphore, #tpu.memory_space<semaphore_mem>>) src(%dma_wait3A_75 : memref<32768xf32, #tpu.memory_space<hbm>>) dst(%arg5 : memref<32768xf32, #tpu.memory_space<vmem>>)
    %scan3A = arith.constant 0 : i32
    %scan3A_76 = arith.constant 0 : i32
    %scan3A_77 = arith.constant 64 : i32
    %scan3A_78 = arith.addi %scan3A_76, %scan3A_77 : i32
    %scan3A_79 = arith.constant 1 : i32
    %scan3A_80 = scf.for %scan3A_82 = %scan3A_76 to %scan3A_78 step %scan3A_79 iter_args(%scan3A_83 = %scan3A) -> (i32)  : i32 {
      %mul3A_84 = arith.constant 512 : i32
      %mul3A_85 = arith.muli %scan3A_82, %mul3A_84 : i32
      %add3A_86 = vector.broadcast %mul3A_85 : i32 to vector<16xi32>
      %add3A_87 = arith.addi %add3A_86, %get3A_3 : vector<16xi32>
      %gather3A = tpu.vector_load_idx %arg5[%add3A_87] : memref<32768xf32, #tpu.memory_space<vmem>>[vector<16xi32>], vector<16xf32>,
      %add3A_88 = vector.broadcast %mul3A_85 : i32 to vector<16xi32>
      %add3A_89 = arith.addi %add3A_88, %get3A_5 : vector<16xi32>
      %gather3A_90 = tpu.vector_load_idx %arg5[%add3A_89] : memref<32768xf32, #tpu.memory_space<vmem>>[vector<16xi32>], vector<16xf32>,
      %add3A_91 = vector.broadcast %mul3A_85 : i32 to vector<16xi32>
      %add3A_92 = arith.addi %add3A_91, %get3A_7 : vector<16xi32>
      %gather3A_93 = tpu.vector_load_idx %arg5[%add3A_92] : memref<32768xf32, #tpu.memory_space<vmem>>[vector<16xi32>], vector<16xf32>,
      %add3A_94 = vector.broadcast %mul3A_85 : i32 to vector<16xi32>
      %add3A_95 = arith.addi %add3A_94, %get3A_9 : vector<16xi32>
      %gather3A_96 = tpu.vector_load_idx %arg5[%add3A_95] : memref<32768xf32, #tpu.memory_space<vmem>>[vector<16xi32>], vector<16xf32>,
      %add3A_97 = vector.broadcast %mul3A_85 : i32 to vector<16xi32>
      %add3A_98 = arith.addi %add3A_97, %get3A_11 : vector<16xi32>
      %gather3A_99 = tpu.vector_load_idx %arg5[%add3A_98] : memref<32768xf32, #tpu.memory_space<vmem>>[vector<16xi32>], vector<16xf32>,
      %add3A_100 = arith.addf %gather3A, %gather3A_99 : vector<16xf32>
      %add3A_101 = vector.broadcast %mul3A_85 : i32 to vector<16xi32>
      %add3A_102 = arith.addi %add3A_101, %get3A_13 : vector<16xi32>
      %gather3A_103 = tpu.vector_load_idx %arg5[%add3A_102] : memref<32768xf32, #tpu.memory_space<vmem>>[vector<16xi32>], vector<16xf32>,
      %add3A_104 = arith.addf %gather3A_90, %gather3A_103 : vector<16xf32>
      %add3A_105 = vector.broadcast %mul3A_85 : i32 to vector<16xi32>
      %add3A_106 = arith.addi %add3A_105, %get3A_15 : vector<16xi32>
      %gather3A_107 = tpu.vector_load_idx %arg5[%add3A_106] : memref<32768xf32, #tpu.memory_space<vmem>>[vector<16xi32>], vector<16xf32>,
      %add3A_108 = arith.addf %gather3A_93, %gather3A_107 : vector<16xf32>
      %add3A_109 = vector.broadcast %mul3A_85 : i32 to vector<16xi32>
      %add3A_110 = arith.addi %add3A_109, %get3A_17 : vector<16xi32>
      %gather3A_111 = tpu.vector_load_idx %arg5[%add3A_110] : memref<32768xf32, #tpu.memory_space<vmem>>[vector<16xi32>], vector<16xf32>,
      %add3A_112 = arith.addf %gather3A_96, %gather3A_111 : vector<16xf32>
      %add3A_113 = vector.broadcast %mul3A_85 : i32 to vector<16xi32>
      %add3A_114 = arith.addi %add3A_113, %get3A_19 : vector<16xi32>
      %gather3A_115 = tpu.vector_load_idx %arg5[%add3A_114] : memref<32768xf32, #tpu.memory_space<vmem>>[vector<16xi32>], vector<16xf32>,
      %add3A_116 = arith.addf %add3A_100, %gather3A_115 : vector<16xf32>
      %add3A_117 = vector.broadcast %mul3A_85 : i32 to vector<16xi32>
      %add3A_118 = arith.addi %add3A_117, %get3A_21 : vector<16xi32>
      %gather3A_119 = tpu.vector_load_idx %arg5[%add3A_118] : memref<32768xf32, #tpu.memory_space<vmem>>[vector<16xi32>], vector<16xf32>,
      %add3A_120 = arith.addf %add3A_104, %gather3A_119 : vector<16xf32>
      %add3A_121 = vector.broadcast %mul3A_85 : i32 to vector<16xi32>
      %add3A_122 = arith.addi %add3A_121, %get3A_23 : vector<16xi32>
      %gather3A_123 = tpu.vector_load_idx %arg5[%add3A_122] : memref<32768xf32, #tpu.memory_space<vmem>>[vector<16xi32>], vector<16xf32>,
      %add3A_124 = arith.addf %add3A_108, %gather3A_123 : vector<16xf32>
      %add3A_125 = vector.broadcast %mul3A_85 : i32 to vector<16xi32>
      %add3A_126 = arith.addi %add3A_125, %get3A_25 : vector<16xi32>
      %gather3A_127 = tpu.vector_load_idx %arg5[%add3A_126] : memref<32768xf32, #tpu.memory_space<vmem>>[vector<16xi32>], vector<16xf32>,
      %add3A_128 = arith.addf %add3A_112, %gather3A_127 : vector<16xf32>
      %add3A_129 = vector.broadcast %mul3A_85 : i32 to vector<16xi32>
      %add3A_130 = arith.addi %add3A_129, %get3A_27 : vector<16xi32>
      %gather3A_131 = tpu.vector_load_idx %arg5[%add3A_130] : memref<32768xf32, #tpu.memory_space<vmem>>[vector<16xi32>], vector<16xf32>,
      %add3A_132 = arith.addf %add3A_116, %gather3A_131 : vector<16xf32>
      %add3A_133 = vector.broadcast %mul3A_85 : i32 to vector<16xi32>
      %add3A_134 = arith.addi %add3A_133, %get3A_29 : vector<16xi32>
      %gather3A_135 = tpu.vector_load_idx %arg5[%add3A_134] : memref<32768xf32, #tpu.memory_space<vmem>>[vector<16xi32>], vector<16xf32>,
      %add3A_136 = arith.addf %add3A_120, %gather3A_135 : vector<16xf32>
      %add3A_137 = vector.broadcast %mul3A_85 : i32 to vector<16xi32>
      %add3A_138 = arith.addi %add3A_137, %get3A_31 : vector<16xi32>
      %gather3A_139 = tpu.vector_load_idx %arg5[%add3A_138] : memref<32768xf32, #tpu.memory_space<vmem>>[vector<16xi32>], vector<16xf32>,
      %add3A_140 = arith.addf %add3A_124, %gather3A_139 : vector<16xf32>
      %add3A_141 = vector.broadcast %mul3A_85 : i32 to vector<16xi32>
      %add3A_142 = arith.addi %add3A_141, %get3A_33 : vector<16xi32>
      %gather3A_143 = tpu.vector_load_idx %arg5[%add3A_142] : memref<32768xf32, #tpu.memory_space<vmem>>[vector<16xi32>], vector<16xf32>,
      %add3A_144 = arith.addf %add3A_128, %gather3A_143 : vector<16xf32>
      %add3A_145 = vector.broadcast %mul3A_85 : i32 to vector<16xi32>
      %add3A_146 = arith.addi %add3A_145, %get3A_35 : vector<16xi32>
      %gather3A_147 = tpu.vector_load_idx %arg5[%add3A_146] : memref<32768xf32, #tpu.memory_space<vmem>>[vector<16xi32>], vector<16xf32>,
      %add3A_148 = arith.addf %add3A_132, %gather3A_147 : vector<16xf32>
      %add3A_149 = vector.broadcast %mul3A_85 : i32 to vector<16xi32>
      %add3A_150 = arith.addi %add3A_149, %get3A_37 : vector<16xi32>
      %gather3A_151 = tpu.vector_load_idx %arg5[%add3A_150] : memref<32768xf32, #tpu.memory_space<vmem>>[vector<16xi32>], vector<16xf32>,
      %add3A_152 = arith.addf %add3A_136, %gather3A_151 : vector<16xf32>
      %add3A_153 = vector.broadcast %mul3A_85 : i32 to vector<16xi32>
      %add3A_154 = arith.addi %add3A_153, %get3A_39 : vector<16xi32>
      %gather3A_155 = tpu.vector_load_idx %arg5[%add3A_154] : memref<32768xf32, #tpu.memory_space<vmem>>[vector<16xi32>], vector<16xf32>,
      %add3A_156 = arith.addf %add3A_140, %gather3A_155 : vector<16xf32>
      %add3A_157 = vector.broadcast %mul3A_85 : i32 to vector<16xi32>
      %add3A_158 = arith.addi %add3A_157, %get3A_41 : vector<16xi32>
      %gather3A_159 = tpu.vector_load_idx %arg5[%add3A_158] : memref<32768xf32, #tpu.memory_space<vmem>>[vector<16xi32>], vector<16xf32>,
      %add3A_160 = arith.addf %add3A_144, %gather3A_159 : vector<16xf32>
      %add3A_161 = vector.broadcast %mul3A_85 : i32 to vector<16xi32>
      %add3A_162 = arith.addi %add3A_161, %get3A_43 : vector<16xi32>
      %gather3A_163 = tpu.vector_load_idx %arg5[%add3A_162] : memref<32768xf32, #tpu.memory_space<vmem>>[vector<16xi32>], vector<16xf32>,
      %add3A_164 = arith.addf %add3A_148, %gather3A_163 : vector<16xf32>
      %add3A_165 = vector.broadcast %mul3A_85 : i32 to vector<16xi32>
      %add3A_166 = arith.addi %add3A_165, %get3A_45 : vector<16xi32>
      %gather3A_167 = tpu.vector_load_idx %arg5[%add3A_166] : memref<32768xf32, #tpu.memory_space<vmem>>[vector<16xi32>], vector<16xf32>,
      %add3A_168 = arith.addf %add3A_152, %gather3A_167 : vector<16xf32>
      %add3A_169 = vector.broadcast %mul3A_85 : i32 to vector<16xi32>
      %add3A_170 = arith.addi %add3A_169, %get3A_47 : vector<16xi32>
      %gather3A_171 = tpu.vector_load_idx %arg5[%add3A_170] : memref<32768xf32, #tpu.memory_space<vmem>>[vector<16xi32>], vector<16xf32>,
      %add3A_172 = arith.addf %add3A_156, %gather3A_171 : vector<16xf32>
      %add3A_173 = vector.broadcast %mul3A_85 : i32 to vector<16xi32>
      %add3A_174 = arith.addi %add3A_173, %get3A_49 : vector<16xi32>
      %gather3A_175 = tpu.vector_load_idx %arg5[%add3A_174] : memref<32768xf32, #tpu.memory_space<vmem>>[vector<16xi32>], vector<16xf32>,
      %add3A_176 = arith.addf %add3A_160, %gather3A_175 : vector<16xf32>
      %add3A_177 = vector.broadcast %mul3A_85 : i32 to vector<16xi32>
      %add3A_178 = arith.addi %add3A_177, %get3A_51 : vector<16xi32>
      %gather3A_179 = tpu.vector_load_idx %arg5[%add3A_178] : memref<32768xf32, #tpu.memory_space<vmem>>[vector<16xi32>], vector<16xf32>,
      %add3A_180 = arith.addf %add3A_164, %gather3A_179 : vector<16xf32>
      %add3A_181 = vector.broadcast %mul3A_85 : i32 to vector<16xi32>
      %add3A_182 = arith.addi %add3A_181, %get3A_53 : vector<16xi32>
      %gather3A_183 = tpu.vector_load_idx %arg5[%add3A_182] : memref<32768xf32, #tpu.memory_space<vmem>>[vector<16xi32>], vector<16xf32>,
      %add3A_184 = arith.addf %add3A_168, %gather3A_183 : vector<16xf32>
      %add3A_185 = vector.broadcast %mul3A_85 : i32 to vector<16xi32>
      %add3A_186 = arith.addi %add3A_185, %get3A_55 : vector<16xi32>
      %gather3A_187 = tpu.vector_load_idx %arg5[%add3A_186] : memref<32768xf32, #tpu.memory_space<vmem>>[vector<16xi32>], vector<16xf32>,
      %add3A_188 = arith.addf %add3A_172, %gather3A_187 : vector<16xf32>
      %add3A_189 = vector.broadcast %mul3A_85 : i32 to vector<16xi32>
      %add3A_190 = arith.addi %add3A_189, %get3A_57 : vector<16xi32>
      %gather3A_191 = tpu.vector_load_idx %arg5[%add3A_190] : memref<32768xf32, #tpu.memory_space<vmem>>[vector<16xi32>], vector<16xf32>,
      %add3A_192 = arith.addf %add3A_176, %gather3A_191 : vector<16xf32>
      %add3A_193 = vector.broadcast %mul3A_85 : i32 to vector<16xi32>
      %add3A_194 = arith.addi %add3A_193, %get3A_59 : vector<16xi32>
      %gather3A_195 = tpu.vector_load_idx %arg5[%add3A_194] : memref<32768xf32, #tpu.memory_space<vmem>>[vector<16xi32>], vector<16xf32>,
      %add3A_196 = arith.addf %add3A_180, %gather3A_195 : vector<16xf32>
      %add3A_197 = vector.broadcast %mul3A_85 : i32 to vector<16xi32>
      %add3A_198 = arith.addi %add3A_197, %get3A_61 : vector<16xi32>
      %gather3A_199 = tpu.vector_load_idx %arg5[%add3A_198] : memref<32768xf32, #tpu.memory_space<vmem>>[vector<16xi32>], vector<16xf32>,
      %add3A_200 = arith.addf %add3A_184, %gather3A_199 : vector<16xf32>
      %add3A_201 = vector.broadcast %mul3A_85 : i32 to vector<16xi32>
      %add3A_202 = arith.addi %add3A_201, %get3A_63 : vector<16xi32>
      %gather3A_203 = tpu.vector_load_idx %arg5[%add3A_202] : memref<32768xf32, #tpu.memory_space<vmem>>[vector<16xi32>], vector<16xf32>,
      %add3A_204 = arith.addf %add3A_188, %gather3A_203 : vector<16xf32>
      %add3A_205 = vector.broadcast %mul3A_85 : i32 to vector<16xi32>
      %add3A_206 = arith.addi %add3A_205, %get3A_65 : vector<16xi32>
      %gather3A_207 = tpu.vector_load_idx %arg5[%add3A_206] : memref<32768xf32, #tpu.memory_space<vmem>>[vector<16xi32>], vector<16xf32>,
      %add3A_208 = arith.addf %add3A_192, %gather3A_207 : vector<16xf32>
      %add3A_209 = arith.addf %add3A_196, %add3A_200 : vector<16xf32>
      %add3A_210 = arith.addf %add3A_204, %add3A_208 : vector<16xf32>
      %add3A_211 = arith.addf %add3A_209, %add3A_210 : vector<16xf32>
      %mul3A_212 = arith.constant 0.176776692 : f32
      %mul3A_213 = vector.broadcast %mul3A_212 : f32 to vector<16xf32>
      %mul3A_214 = arith.mulf %add3A_211, %mul3A_213 : vector<16xf32>
      %mul3A_215 = arith.constant 16 : i32
      %mul3A_216 = arith.muli %scan3A_82, %mul3A_215 : i32
      %swap3A = arith.index_cast %mul3A_216 : i32 to index
      %swap3A_217 = tpu.vector_load %arg6[%swap3A] {strides = array<i32>} : memref<1024xf32, #tpu.memory_space<vmem>>, vector<16xf32>,
      tpu.vector_store %arg6[%swap3A], %mul3A_214 {strides = array<i32>} : memref<1024xf32, #tpu.memory_space<vmem>>, vector<16xf32>,
      %scan3A_218 = arith.constant 0 : i32
      scf.yield %scan3A_218 : i32
    }
    %scan3A_81 = arith.constant 64 : i32
    "tpu.region"() ({
      %run_scoped3A = tpu.sem_alloc : memref<!tpu.dma_semaphore, #tpu.memory_space<semaphore_mem>>
      %dma_start3A_82 = arith.constant 0 : i32
      %dma_start3A_83 = tpu.memref_slice %arg4[%add3A, %dma_start3A_82] : memref<32x1024xf32, #tpu.memory_space<hbm>> -> memref<1x1024xf32, #tpu.memory_space<hbm>>
      %dma_start3A_84 = tpu.memref_squeeze %dma_start3A_83 : memref<1x1024xf32, #tpu.memory_space<hbm>> -> memref<1024xf32, #tpu.memory_space<hbm>>
      %dma_start3A_85 = arith.constant 0 : i32
      %dma_start3A_86 = tpu.memref_slice %arg4[%add3A, %dma_start3A_85] : memref<32x1024xf32, #tpu.memory_space<hbm>> -> memref<1x1024xf32, #tpu.memory_space<hbm>>
      %dma_start3A_87 = tpu.memref_squeeze %dma_start3A_86 : memref<1x1024xf32, #tpu.memory_space<hbm>> -> memref<1024xf32, #tpu.memory_space<hbm>>
      tpu.enqueue_dma source(%arg6 : memref<1024xf32, #tpu.memory_space<vmem>>) target(%dma_start3A_87 : memref<1024xf32, #tpu.memory_space<hbm>>) target_semaphore(%run_scoped3A : memref<!tpu.dma_semaphore, #tpu.memory_space<semaphore_mem>>)
      %dma_wait3A_88 = arith.constant 0 : i32
      %dma_wait3A_89 = tpu.memref_slice %arg4[%add3A, %dma_wait3A_88] : memref<32x1024xf32, #tpu.memory_space<hbm>> -> memref<1x1024xf32, #tpu.memory_space<hbm>>
      %dma_wait3A_90 = tpu.memref_squeeze %dma_wait3A_89 : memref<1x1024xf32, #tpu.memory_space<hbm>> -> memref<1024xf32, #tpu.memory_space<hbm>>
      %dma_wait3A_91 = arith.constant 0 : i32
      %dma_wait3A_92 = tpu.memref_slice %arg4[%add3A, %dma_wait3A_91] : memref<32x1024xf32, #tpu.memory_space<hbm>> -> memref<1x1024xf32, #tpu.memory_space<hbm>>
      %dma_wait3A_93 = tpu.memref_squeeze %dma_wait3A_92 : memref<1x1024xf32, #tpu.memory_space<hbm>> -> memref<1024xf32, #tpu.memory_space<hbm>>
      tpu.wait_dma2 semaphore(%run_scoped3A : memref<!tpu.dma_semaphore, #tpu.memory_space<semaphore_mem>>) src(%arg6 : memref<1024xf32, #tpu.memory_space<vmem>>) dst(%dma_wait3A_93 : memref<1024xf32, #tpu.memory_space<hbm>>)
      tpu.yield
    }) : () -> ()
    return
  }
}

module attributes {stable_mosaic.version = 14 : i64} {
  func.func @_tc_body(%arg0: i32, %arg1: memref<96x16384xf32, #tpu.memory_space<vmem>>, %arg2: memref<96x512xf32, #tpu.memory_space<vmem>>) attributes {dimension_semantics = [#tpu.dimension_semantics<parallel>], iteration_bounds = array<i64: 2>, scalar_prefetch = 0 : i64, scratch_operands = 0 : i64, tpu.core_type = #tpu.core_type<tc>, window_params = [{transform_indices = @transform_0, window_bounds = array<i64: 96, 16384>}, {transform_indices = @transform_1, window_bounds = array<i64: 96, 512>}]} {
    %get3A = arith.constant 0 : index
    %get3A_0 = arith.constant 0 : index
    %get3A_1 = vector.load %arg1[%get3A, %get3A_0] : memref<96x16384xf32, #tpu.memory_space<vmem>>, vector<96x16384xf32>
    %transpose3A = tpu.transpose %get3A_1, [1, 0] : vector<96x16384xf32> -> vector<16384x96xf32>
    %reshape3A = vector.shape_cast %transpose3A : vector<16384x96xf32> to vector<512x32x96xf32>
    %reduce_sum3A = arith.constant dense<0.000000e+00> : vector<512x96xf32>
    %reduce_sum3A_2 = vector.multi_reduction <add>, %reshape3A, %reduce_sum3A [1] : vector<512x32x96xf32> to vector<512x96xf32>
    %mul3A = arith.constant 0.176776692 : f32
    %mul3A_3 = vector.broadcast %mul3A : f32 to vector<512x96xf32>
    %mul3A_4 = arith.mulf %reduce_sum3A_2, %mul3A_3 : vector<512x96xf32>
    %transpose3A_5 = tpu.transpose %mul3A_4, [1, 0] : vector<512x96xf32> -> vector<96x512xf32>
    %swap3A = arith.constant 0 : index
    %swap3A_6 = arith.constant 0 : index
    %swap3A_7 = vector.load %arg2[%swap3A, %swap3A_6] : memref<96x512xf32, #tpu.memory_space<vmem>>, vector<96x512xf32>
    tpu.vector_store %arg2[%swap3A, %swap3A_6], %transpose3A_5 {strides = array<i32>} : memref<96x512xf32, #tpu.memory_space<vmem>>, vector<96x512xf32>,
    return
  }
  func.func @transform_0(%arg0: i32) -> (i32, i32) {
    %c0_i32 = arith.constant 0 : i32
    %c0_i32_0 = arith.constant 0 : i32
    return %c0_i32, %arg0 : i32, i32
  }
  func.func @transform_1(%arg0: i32) -> (i32, i32) {
    %c0_i32 = arith.constant 0 : i32
    %c0_i32_0 = arith.constant 0 : i32
    return %c0_i32, %arg0 : i32, i32
  }
}

</mosaic_0001>

<sc_bundles>
// kernel: kernel.4.cloned.1.call-start
scs
__scs_entry_jumppad:
0x0: {  	(pc) =	sbr.rel $0x88, $3  }
0x1: {  	(tag) =	ssettag $0x0;
	lr =	simm.s32 $0x1  }
0x2: {  	[smem:$0x3FA0] =	sst lr;
	_ =	strace $0xD0000000  }
0x3: {  	_ = 	snop  }
0x4: {  	_ = 	snop  }
0x5: {  	_ = 	snop  }
0x6: {  	_ = 	snop  }
0x7: {  	_ = 	snop  }
__scs_overlays_trampoline_lowered:
0x8: {  	[smem:$0x3FAF] =	sst s0  }
0x9: {  	[smem:$0x3FB0] =	sst s1  }
0xa: {  	[smem:$0x3FB1] =	sst s2  }
0xb: {  	[smem:$0x3FB2] =	sst s3  }
0xc: {  	[smem:$0x3FB3] =	sst s4  }
0xd: {  	[smem:$0x3FB4] =	sst s5  }
0xe: {  	[smem:$0x3FB5] =	sst s6  }
0xf: {  	[smem:$0x3FB6] =	sst s7  }
0x10: {  	[smem:$0x3FB7] =	sst s8  }
0x11: {  	[smem:$0x3FB8] =	sst s9;
	s0 =	simm.s32 @!p0 $0x0  }
0x12: {  	s1 =	sld [smem:$0x3F9E];
	s0 =	simm.s32 @p0 $0x1  }
0x13: {  	[smem:$0x3FB9] =	sst s0;
	s0 =	simm.s32 @!p1 $0x0  }
0x14: {  	s2 =	sld [smem:$0x3F9D];
	s0 =	simm.s32 @p1 $0x1  }
0x15: {  	[smem:$0x3FBA] =	sst s0;
	s0 =	simm.s32 @!p2 $0x0  }
0x16: {  	s3 =	sld [smem:$0x3FDB];
	s0 =	simm.s32 @p2 $0x1  }
0x17: {  	s4 =	simm.s32 $0x1BF5;
	[smem:$0x3FBC] =	sst s0  }
0x18: {  	s0 =	sld [smem:$0x3F9F];
	_ =	swait.ge [sflag:s4], $0x0  }
0x19: {  	s7 =	sld [smem:$0x3FA0]  }
0x1a: {  	s8 =	sadd.s32 $0xFFFFE003, lr  }
0x1b: {  	s9 =	sadd.s32 $0xFFFFFEF7, lr;
	s5 =	simm.s32 $0xFFFFFFFF;
	p2 =	slt.u32 s8, $0xFFFFF086  }
0x1c: {  	p1 =	slt.u32 s9, $0xF7A;
	s5 =	simm.s32 @!p2 $0x0  }
0x1d: {  	s5 =	simm.s32 @p1 $0x1;
	p0 =	seq.s32 s7, s2  }
0x1e: {  	s7 =	smul.u32 @!p0 $0xF7A, s2;
	p2 =	seq.s32 @!p0 s5, $0x0  }
0x1f: {  	s9 =	smul.u32 $0xF7A, s1;
	s8 =	simm.s32 @!p0 $0x1BF5;
	p2 =	por !p2, p0  }
0x20: {  	[sflag:s8] =	ssyncset.s32 @!p0 $0xFFFFF086;
	s6 =	sadd.s32 @!p0 s3, s7;
	s7 =	simm.s32 @!p0 $0x108  }
0x21: {  	s3 =	sadd.s32 s3, s9;
	s6 =	sadd.s32 @!p0 $0x88, s6;
	s7 =	simm.s32 @p2 $0x1082  }
0x22: {  	[simem:s7], [sflag:s8] =	dma.local @!p0 [hbm:s6], $0xF7A  }
0x23: {  	s9 =	sor.u32 $0xD0000000, s2;
	s6 =	simm.s32 $0x108;
	_ =	swait.ge @!p0 [sflag:s8], $0x0  }
0x24: {  	s3 =	sadd.s32 $0x88, s3;
	s6 =	simm.s32 @!p1 $0x1082;
	[sflag:s4] =	ssyncset.s32 $0xFFFFF086  }
0x25: {  	[simem:s6], [sflag:s4] =	dma.local [hbm:s3], $0xF7A  }
0x26: {  	[smem:$0x3FA0] =	sst s1;
	(tag) =	ssettag s2;
	_ =	strace s9  }
0x27: {  	s1 =	sld [smem:$0x3FB0]  }
0x28: {  	s2 =	sld [smem:$0x3FB1]  }
0x29: {  	s4 =	sld [smem:$0x3FB3]  }
0x2a: {  	p0 =	seq.s32 s5, $0x0;
	s5 =	sld [smem:$0x3FB4]  }
0x2b: {  	s6 =	sld [smem:$0x3FB5]  }
0x2c: {  	s7 =	sld [smem:$0x3FB6]  }
0x2d: {  	s3 =	simm.s32 $0x108;
	s8 =	sld [smem:$0x3FB7]  }
0x2e: {  	s3 =	simm.s32 @!p0 $0x1082;
	s9 =	sld [smem:$0x3FB8]  }
0x2f: {  	lr =	sadd.s32 s0, s3;
	s0 =	sld [smem:$0x3FAF]  }
0x30: {  	s3 =	sld [smem:$0x3FB2]  }
0x31: {  	[smem:$0x3FBB] =	sst s10  }
0x32: {  	s10 =	sld [smem:$0x3FB9];
	_ =	sdelay $0x3  }
0x33: {  	p0 =	seq.s32 s10, $0x1;
	s10 =	sld [smem:$0x3FBB];
	_ =	sdelay $0x3  }
0x34: {  	[smem:$0x3FBB] =	sst s10  }
0x35: {  	s10 =	sld [smem:$0x3FBA];
	_ =	sdelay $0x3  }
0x36: {  	p1 =	seq.s32 s10, $0x1;
	s10 =	sld [smem:$0x3FBB];
	_ =	sdelay $0x3  }
0x37: {  	[smem:$0x3FBB] =	sst s10  }
0x38: {  	s10 =	sld [smem:$0x3FBC]  }
0x39: {  	_ = 	snop;
	(pc) =	sbr.ind lr, $3  }
0x3a: {  	_ = 	snop  }
0x3b: {  	_ = 	snop  }
0x3c: {  	p2 =	seq.s32 s10, $0x1;
	s10 =	sld [smem:$0x3FBB]  }
0x3d: {  	_ =	shalt  }
0x3e: {  	_ =	shalt  }
0x3f: {  	_ =	shalt  }
0x40: {  	_ =	shalt  }
0x41: {  	_ =	shalt  }
0x42: {  	_ =	shalt  }
0x43: {  	_ =	shalt  }
0x44: {  	_ =	shalt  }
0x45: {  	_ =	shalt  }
0x46: {  	_ =	shalt  }
0x47: {  	_ =	shalt  }
0x48: {  	_ =	shalt  }
0x49: {  	_ =	shalt  }
0x4a: {  	_ =	shalt  }
0x4b: {  	_ =	shalt  }
0x4c: {  	_ =	shalt  }
0x4d: {  	_ =	shalt  }
0x4e: {  	_ =	shalt  }
0x4f: {  	_ =	shalt  }
0x50: {  	_ =	shalt  }
0x51: {  	_ =	shalt  }
0x52: {  	_ =	shalt  }
0x53: {  	_ =	shalt  }
0x54: {  	_ =	shalt  }
0x55: {  	_ =	shalt  }
0x56: {  	_ =	shalt  }
0x57: {  	_ =	shalt  }
0x58: {  	_ =	shalt  }
0x59: {  	_ =	shalt  }
0x5a: {  	_ =	shalt  }
0x5b: {  	_ =	shalt  }
0x5c: {  	_ =	shalt  }
0x5d: {  	_ =	shalt  }
0x5e: {  	_ =	shalt  }
0x5f: {  	_ =	shalt  }
0x60: {  	_ =	shalt  }
0x61: {  	_ =	shalt  }
0x62: {  	_ =	shalt  }
0x63: {  	_ =	shalt  }
0x64: {  	_ =	shalt  }
0x65: {  	_ =	shalt  }
0x66: {  	_ =	shalt  }
0x67: {  	_ =	shalt  }
0x68: {  	_ =	shalt  }
0x69: {  	_ =	shalt  }
0x6a: {  	_ =	shalt  }
0x6b: {  	_ =	shalt  }
0x6c: {  	_ =	shalt  }
0x6d: {  	_ =	shalt  }
0x6e: {  	_ =	shalt  }
0x6f: {  	_ =	shalt  }
0x70: {  	_ =	shalt  }
0x71: {  	_ =	shalt  }
0x72: {  	_ =	shalt  }
0x73: {  	_ =	shalt  }
0x74: {  	_ =	shalt  }
0x75: {  	_ =	shalt  }
0x76: {  	_ =	shalt  }
0x77: {  	_ =	shalt  }
0x78: {  	_ =	shalt  }
0x79: {  	_ =	shalt  }
0x7a: {  	_ =	shalt  }
0x7b: {  	_ =	shalt  }
0x7c: {  	_ =	shalt  }
0x7d: {  	_ =	shalt  }
0x7e: {  	_ =	shalt  }
0x7f: {  	_ =	shalt  }
0x80: {  	_ =	shalt  }
0x81: {  	_ =	shalt  }
0x82: {  	_ =	shalt  }
0x83: {  	_ =	shalt  }
0x84: {  	_ =	shalt  }
0x85: {  	_ =	shalt  }
0x86: {  	_ =	shalt  }
0x87: {  	_ =	shalt  }
.Lfunc_end0:
.L_simem_size_0:
called_computation_lowered:
.L_overlay_start_0:
0x88: {  	s2 =	sld [smem:$0x3FD9]  }
0x89: {  	s3 =	sld [smem:$0x3FFE];
	_ =	sdelay $0x1  }
0x8a: {  	s1 =	srdreg.scid  }
0x8b: {  	s0 =	sand.u32 $0x1, s1  }
0x8c: {  	s17 =	sshll.u32 s0, $0xA;
	s2 =	sadd.s32 s3, s2  }
0x8d: {  	s2 =	sadd.s32 s2, s17  }
0x8e: {  	[smem:$0x3FC7] =	sst s2  }
0x8f: {  	_ = 	snop  }
0x90: {  	s2 =	sld [smem:$0x3FC9]  }
0x91: {  	s18 =	sld [smem:$0x3FD0];
	(tm) =	ssettm $0x1  }
0x92: {  	s4 =	sld [smem:$0x3FFB];
	_ =	sdelay $0x3  }
0x93: {  	_ =	strace s4  }
0x94: {  	s4 =	sld [smem:$0x3FFC];
	_ =	sdelay $0x3  }
0x95: {  	_ =	strace s4  }
0x96: {  	s4 =	sld [smem:$0x3FFD];
	_ =	sdelay $0x3  }
0x97: {  	_ =	strace s4  }
0x98: {  	_ =	strace $0x8FFFFFFF  }
0x99: {  	s19 =	sld [smem:$0x3FDB];
	_ =	sdelay $0x1  }
0x9a: {  	s5 =	simm.s32 $_scs_section_size  }
0x9b: {  	s6 =	simm.s32 $_size__tile_overlayer_lowered;
	s7 =	simm.s32 $_tile_overlayer_lowered  }
0x9c: {  	s22 =	simm.s32 $0x1BFF;
	s21 =	sshll.u32 s7, $0x1;
	s4 =	sadd.s32 s5, s19  }
0x9d: {  	s8 =	simm.s32 $0x0;
	s20 =	sshll.u32 s6, $0x1;
	s6 =	sadd.s32 s21, s4  }
0x9e: {  	[timem:s8], [sflag:s22] =	dma.local [hbm:s6], s20  }
0x9f: {  	_ =	swait.ge [sflag:s22], s20  }
0xa0: {  	s5 =	ssub.s32 $0x0, s20;
	[sflag:s22] =	ssyncset.done $0x0  }
0xa1: {  	[sflag:s22] =	ssyncadd.s32 s5;
	_ =	sdelay $0x1  }
0xa2: {  	s23 =	simm.s32 $0x1B8B  }
0xa3: {  	_ =	swait.ge [sflag:s23], $0x1  }
0xa4: {  	[sflag:s23] =	ssyncset.done $0x0  }
0xa5: {  	s25 =	simm.s32 $0x1B8E;
	s24 =	sld [smem:$0x3FFE];
	[sflag:s23] =	ssyncadd.s32 $0xFFFFFFFF  }
0xa6: {  	s26 =	simm.s32 $execute0_lowered;
	[smem:$0x3FD2] =	sst s25  }
0xa7: {  	s6 =	sshll.u32 s26, $0x1;
	_ =	strace $0x80000046;
	[dreg:$0x1] =	wrdreg $0xFFFFFFFF  }
0xa8: {  	s28 =	simm.s32 $_size_execute0_lowered;
	s4 =	sadd.s32 s4, s6;
	[dreg:$0x0] =	wrdreg $0x0  }
0xa9: {  	s6 =	sshll.u32 s28, $0x1;
	[dreg:$0x2] =	wrdreg s4  }
0xaa: {  	[dreg:$0x3] =	wrdreg s6  }
0xab: {  	[dreg:$0x4] =	wrdreg $0xC0  }
0xac: {  	_ =	task [dreg:s8], $0x5FFFF  }
0xad: {  	[dreg:$0x1] =	wrdreg $0xFFFFFFFF  }
0xae: {  	[dreg:$0x0] =	wrdreg $0x60  }
0xaf: {  	[dreg:$0x2] =	wrdreg s2  }
0xb0: {  	[dreg:$0x3] =	wrdreg s24  }
0xb1: {  	[dreg:$0x4] =	wrdreg s18  }
0xb2: {  	[dreg:$0x5] =	wrdreg $0x9  }
0xb3: {  	_ =	task.clear_ibuf [dreg:s8], $0x6FFFF;
	_ =	strace $0x90000046  }
0xb4: {  	s29 =	simm.s32 $0x9;
	_ =	strace $0x80000048  }
0xb5: {  	_ =	swait.ge [sflag:s29], $0x1  }
0xb6: {  	[sflag:s29] =	ssyncadd.s32 $0xFFFFFFFF  }
0xb7: {  	_ =	strace $0x90000048  }
0xb8: {  	_ =	sfence  }
0xb9: {  	s30 =	sld [smem:$0x0];
	_ =	sdelay $0x2  }
0xba: {  	s31 =	sshll.u32 s1, $0xD;
	s1 =	sshrl.u32 s1, $0x2  }
0xbb: {  	s3 =	sand.u32 $0x4000, s31;
	s1 =	sadd.s32 s1, s30  }
0xbc: {  	s0 =	sor.u32 s3, s0;
	s1 =	sshll.u32 s1, $0x11  }
0xbd: {  	s0 =	sor.u32 s1, s0  }
0xbe: {  	s0 =	sadd.s32 $0x8F2B, s0  }
0xbf: {  	[sflag:s0] =	ssyncadd.remote.s32 $0x1  }
0xc0: {  	_ =	sfence.sel $0xFFFF  }
0xc1: {  	[dreg:$0x0] =	wrdreg $0xFFFFFFFF;
	(pc) =	sbr.abs _section_cstart, $3  }
0xc2: {  	[dreg:$0x1] =	wrdreg $0xFFFFFFFF  }
0xc3: {  	_ =	task.clear_ibuf [dreg:s8], $0x2FFFF;
	_ =	strace $0x9FFFFFFF  }
0xc4: {  	(tm) =	ssettm $0x7FFFFFFF  }
0xc5: {  	_ =	shalt  }
tec
execute0_lowered:
.L_overlay_start_1:
0x0: {  	(tag) =	ssettag $0x1  }
0x1: {  	s4 =	rddreg [dreg:$0x0]  }
0x2: {  	s3 =	rddreg [dreg:$0x1]  }
0x3: {  	s5 =	rddreg [dreg:$0x2]  }
0x4: {  	s0 =	rddreg [dreg:$0x3]  }
0x5: {  	s2 =	simm.s32 $0x0;
	s6 =	srdreg.scid;
	s1 =	stileid.u32  }
0x6: {  	s11 =	simm.s32 $0x1;
	s12 =	simm.s32 $0x8000;
	s13 =	simm.s32 $0x0  }
0x7: {  	[smem:$0x7FF] =	sst s2;
	s6 =	sand.u32 $0x1, s6;
	s7 =	sshll.u32 s1, $0x8  }
0x8: {  	s8 =	sshll.u32 s1, $0x10;
	s3 =	sadd.s32 $0x600, s3;
	s31 =	sshll.u32 s1, $0xB  }
0x9: {  	s9 =	sshll.u32 s6, $0x7;
	s7 =	sand.u32 $0x300, s7;
	_ =	strace $0x80000047  }
0xa: {  	s8 =	sand.u32 $0xC0000, s8;
	s6 =	ssub.s32 $0x2, s6;
	s7 =	sor.u32 s9, s7  }
0xb: {  	s9 =	sand.u32 $0x6000, s31;
	s10 =	sshrl.u32 s6, $0x1;
	s8 =	sor.u32 s8, s7  }
0xc: {  	s7 =	sor.u32 s9, s7;
	s6 =	ssub.s32 s6, s10;
	s9 =	simm.s32 $0x80  }
0xd: {  	s10 =	simm.s32 $0x400;
	s8 =	sshrl.u32 s8, $0x3;
	s7 =	sshrl.u32 s7, $0x3  }
0xe: {  	s6 =	smax.u32 s6, $0x1;
	s4 =	sadd.s32 s8, s4;
	s5 =	sadd.s32 s5, s7  }
0xf: {  	s7 =	simm.s32 $0x8400;
	s8 =	simm.s32 $0x2;
	s4 =	sadd.s32 $0x60000, s4  }
.LBB2_1:
0x10: {  	[tilespmem:s7], [sflag:$0x2] =	stream.linear.gather [hbm4b:s3+s2], $0x200, $0x38;
	[tilespmem:$0x8600] =	vst v63  }
0x11: {  	_ =	swait.ge [sflag:s8], $0x200  }
0x12: {  	[sflag:s8] =	ssyncset.done $0x0  }
0x13: {  	[sflag:s8] =	ssyncadd.s32 $0xFFFFFE00  }
0x14: {  	v17 =	vld [tilespmem:$0x8400]  }
0x15: {  	v18 =	vld [tilespmem:$0x8410]  }
0x16: {  	v22 =	vld [tilespmem:$0x8420]  }
0x17: {  	v24 =	vld [tilespmem:$0x8430]  }
0x18: {  	v16 =	vld [tilespmem:$0x8440]  }
0x19: {  	v20 =	vld [tilespmem:$0x8450]  }
0x1a: {  	v23 =	vld [tilespmem:$0x8460]  }
0x1b: {  	v25 =	vld [tilespmem:$0x8470]  }
0x1c: {  	v14 =	vld [tilespmem:$0x8480]  }
0x1d: {  	v15 =	vld [tilespmem:$0x8490]  }
0x1e: {  	v27 =	vld [tilespmem:$0x84A0]  }
0x1f: {  	v29 =	vld [tilespmem:$0x84B0]  }
0x20: {  	v10 =	vld [tilespmem:$0x84C0]  }
0x21: {  	v12 =	vld [tilespmem:$0x84D0]  }
0x22: {  	v31 =	vld [tilespmem:$0x84E0]  }
0x23: {  	v32 =	vld [tilespmem:$0x84F0]  }
0x24: {  	v0 =	vld [tilespmem:$0x8500]  }
0x25: {  	v1 =	vld [tilespmem:$0x8510]  }
0x26: {  	v36 =	vld [tilespmem:$0x8520]  }
0x27: {  	v34 =	vld [tilespmem:$0x8530]  }
0x28: {  	v6 =	vld [tilespmem:$0x8540]  }
0x29: {  	v7 =	vld [tilespmem:$0x8550]  }
0x2a: {  	v41 =	vld [tilespmem:$0x8560]  }
0x2b: {  	v42 =	vld [tilespmem:$0x8570]  }
0x2c: {  	v4 =	vld [tilespmem:$0x8580]  }
0x2d: {  	v5 =	vld [tilespmem:$0x8590]  }
0x2e: {  	v43 =	vld [tilespmem:$0x85A0]  }
0x2f: {  	v2 =	vld [tilespmem:$0x85C0]  }
0x30: {  	v3 =	vld [tilespmem:$0x85D0]  }
0x31: {  	v44 =	vld [tilespmem:$0x85B0]  }
0x32: {  	v47 =	vld [tilespmem:$0x85E0]  }
0x33: {  	v45 =	vld [tilespmem:$0x85F0];
	[tilespmem:s2], [sflag:$0x1] =	stream.strided.gather [hbm4b:s4+s9], $0x8000, s10, s9, $0x38  }
0x34: {  	_ =	swait.ge [sflag:s11], $0x8000  }
0x35: {  	[sflag:s11] =	ssyncset.done $0x0  }
0x36: {  	[sflag:s11] =	ssyncadd.s32 $0xFFFF8000  }
0x37: {  	v8 =	vld.idx.msk [tilespmem:v2+s2+$0x0], $0xffff  }
0x38: {  	v9 =	vld.idx.msk [tilespmem:v3+s2+$0x0], $0xffff  }
0x39: {  	v11 =	vld.idx.msk [tilespmem:v4+s2+$0x0], $0xffff  }
0x3a: {  	v13 =	vld.idx.msk [tilespmem:v5+s2+$0x0], $0xffff  }
0x3b: {  	v19 =	vld.idx.msk [tilespmem:v6+s2+$0x0], $0xffff  }
0x3c: {  	v21 =	vld.idx.msk [tilespmem:v7+s2+$0x0], $0xffff  }
0x3d: {  	v26 =	vld.idx.msk [tilespmem:v0+s2+$0x0], $0xffff  }
0x3e: {  	v28 =	vld.idx.msk [tilespmem:v1+s2+$0x0], $0xffff  }
0x3f: {  	v30 =	vld.idx.msk [tilespmem:v10+s2+$0x0], $0xffff  }
0x40: {  	v33 =	vld.idx.msk [tilespmem:v12+s2+$0x0], $0xffff  }
0x41: {  	v35 =	vld.idx.msk [tilespmem:v14+s2+$0x0], $0xffff  }
0x42: {  	v37 =	vld.idx.msk [tilespmem:v15+s2+$0x0], $0xffff  }
0x43: {  	v38 =	vld.idx.msk [tilespmem:v16+s2+$0x0], $0xffff  }
0x44: {  	v39 =	vld.idx.msk [tilespmem:v17+s2+$0x0], $0xffff  }
0x45: {  	v40 =	vld.idx.msk [tilespmem:v18+s2+$0x0], $0xffff  }
0x46: {  	v46 =	vld.idx.msk [tilespmem:v20+s2+$0x0], $0xffff  }
0x47: {  	v48 =	vld.idx.msk [tilespmem:v22+s2+$0x0], $0xffff  }
0x48: {  	v49 =	vld.idx.msk [tilespmem:v23+s2+$0x0], $0xffff  }
0x49: {  	v50 =	vld.idx.msk [tilespmem:v24+s2+$0x0], $0xffff  }
0x4a: {  	v51 =	vld.idx.msk [tilespmem:v25+s2+$0x0], $0xffff  }
0x4b: {  	v52 =	vld.idx.msk [tilespmem:v27+s2+$0x0], $0xffff  }
0x4c: {  	v53 =	vld.idx.msk [tilespmem:v29+s2+$0x0], $0xffff  }
0x4d: {  	v54 =	vld.idx.msk [tilespmem:v31+s2+$0x0], $0xffff  }
0x4e: {  	v55 =	vld.idx.msk [tilespmem:v32+s2+$0x0], $0xffff;
	v38 =	vadd.f32 v38, v39;
	v63 =	vadd.f32 v46, v40  }
0x4f: {  	v58 =	vld.idx.msk [tilespmem:v34+s2+$0x0], $0xffff;
	v56 =	vadd.f32 v49, v48;
	v57 =	vadd.f32 v51, v50  }
0x50: {  	v40 =	vld.idx.msk [tilespmem:v36+s2+$0x0], $0xffff;
	v35 =	vadd.f32 v35, v38;
	v37 =	vadd.f32 v37, v63  }
0x51: {  	v59 =	vld.idx.msk [tilespmem:v41+s2+$0x0], $0xffff;
	v60 =	vadd.f32 v52, v56;
	v61 =	vadd.f32 v53, v57  }
0x52: {  	v62 =	vld.idx.msk [tilespmem:v42+s2+$0x0], $0xffff;
	v30 =	vadd.f32 v30, v35;
	v33 =	vadd.f32 v33, v37  }
0x53: {  	v63 =	vld.idx.msk [tilespmem:v43+s2+$0x0], $0xffff;
	v50 =	vadd.f32 v54, v60;
	v51 =	vadd.f32 v55, v61  }
0x54: {  	v52 =	vld.idx.msk [tilespmem:v44+s2+$0x0], $0xffff;
	v26 =	vadd.f32 v26, v30;
	v28 =	vadd.f32 v28, v33  }
0x55: {  	v55 =	vld.idx.msk [tilespmem:v45+s2+$0x0], $0xffff;
	v53 =	vadd.f32 v40, v50;
	v54 =	vadd.f32 v58, v51  }
0x56: {  	v30 =	vld.idx.msk [tilespmem:v47+s2+$0x0], $0xffff;
	v19 =	vadd.f32 v19, v26;
	v21 =	vadd.f32 v21, v28  }
0x57: {  	v26 =	vadd.f32 v59, v53;
	v28 =	vadd.f32 v62, v54  }
0x58: {  	v11 =	vadd.f32 v11, v19;
	v13 =	vadd.f32 v13, v21  }
0x59: {  	v19 =	vadd.f32 v63, v26;
	v21 =	vadd.f32 v52, v28  }
0x5a: {  	v8 =	vadd.f32 v8, v11;
	v9 =	vadd.f32 v9, v13  }
0x5b: {  	v11 =	vadd.f32 v30, v19;
	v13 =	vadd.f32 v55, v21;
	_ =	sdelay $0x1  }
0x5c: {  	v8 =	vadd.f32 v9, v8;
	v9 =	vadd.f32 v13, v11  }
0x5d: {  	v2 =	vadd.s32 $0x200, v2  }
0x5e: {  	v3 =	vadd.s32 $0x200, v3;
	v11 =	vadd.s32 s2, v2;
	v8 =	vadd.f32 v9, v8  }
0x5f: {  	v4 =	vadd.s32 $0x200, v4;
	v13 =	vadd.s32 s2, v3  }
0x60: {  	v5 =	vadd.s32 $0x200, v5;
	v19 =	vadd.s32 s2, v4;
	v8 =	vmul.f32 $1.767766920e-01, v8  }
0x61: {  	v6 =	vadd.s32 $0x200, v6;
	v21 =	vadd.s32 s2, v5  }
0x62: {  	v7 =	vadd.s32 $0x200, v7;
	v26 =	vadd.s32 s2, v6;
	[tilespmem:s12+$0x0] =	vst v8  }
0x63: {  	v16 =	vadd.s32 $0x200, v16;
	v28 =	vadd.s32 s2, v7;
	v8 =	vadd.s32 $0x200, v0;
	v0 =	vld.idx.msk [tilespmem:v11+s2+$0x0], $0xffff  }
0x64: {  	v17 =	vadd.s32 $0x200, v17;
	v58 =	vadd.s32 s2, v16;
	v9 =	vadd.s32 $0x200, v1;
	v1 =	vld.idx.msk [tilespmem:v13+s2+$0x0], $0xffff  }
0x65: {  	v18 =	vadd.s32 $0x200, v18;
	v59 =	vadd.s32 s2, v17;
	v11 =	vadd.s32 $0x200, v10;
	v10 =	vld.idx.msk [tilespmem:v19+s2+$0x0], $0xffff  }
0x66: {  	v20 =	vadd.s32 $0x200, v20;
	v60 =	vadd.s32 s2, v18;
	v13 =	vadd.s32 $0x200, v12;
	v12 =	vld.idx.msk [tilespmem:v21+s2+$0x0], $0xffff  }
0x67: {  	v61 =	vadd.s32 s2, v20;
	v19 =	vld.idx.msk [tilespmem:v26+s2+$0x0], $0xffff  }
0x68: {  	v30 =	vadd.s32 s2, v8;
	v21 =	vld.idx.msk [tilespmem:v28+s2+$0x0], $0xffff  }
0x69: {  	v56 =	vadd.s32 s2, v9;
	v50 =	vld.idx.msk [tilespmem:v58+s2+$0x0], $0xffff  }
0x6a: {  	v51 =	vld.idx.msk [tilespmem:v59+s2+$0x0], $0xffff;
	v57 =	vadd.s32 s2, v11  }
0x6b: {  	v14 =	vadd.s32 $0x200, v14;
	v52 =	vld.idx.msk [tilespmem:v60+s2+$0x0], $0xffff;
	v26 =	vadd.s32 s2, v13  }
0x6c: {  	v15 =	vadd.s32 $0x200, v15;
	v28 =	vadd.s32 s2, v14;
	v53 =	vld.idx.msk [tilespmem:v61+s2+$0x0], $0xffff  }
0x6d: {  	v22 =	vadd.s32 $0x200, v22;
	v38 =	vld.idx.msk [tilespmem:v30+s2+$0x0], $0xffff;
	v30 =	vadd.s32 s2, v15  }
0x6e: {  	v23 =	vadd.s32 $0x200, v23;
	v62 =	vadd.s32 s2, v22;
	v39 =	vld.idx.msk [tilespmem:v56+s2+$0x0], $0xffff  }
0x6f: {  	v24 =	vadd.s32 $0x200, v24;
	v63 =	vadd.s32 s2, v23;
	v40 =	vld.idx.msk [tilespmem:v57+s2+$0x0], $0xffff  }
0x70: {  	v46 =	vld.idx.msk [tilespmem:v26+s2+$0x0], $0xffff;
	v26 =	vadd.s32 $0x200, v25;
	v57 =	vadd.s32 s2, v24  }
0x71: {  	v37 =	vadd.s32 $0x200, v36;
	v48 =	vld.idx.msk [tilespmem:v28+s2+$0x0], $0xffff;
	v28 =	vadd.s32 $0x200, v27;
	v58 =	vadd.s32 s2, v26  }
0x72: {  	v36 =	vadd.s32 $0x200, v34;
	v56 =	vadd.s32 s2, v28;
	v49 =	vld.idx.msk [tilespmem:v30+s2+$0x0], $0xffff;
	v30 =	vadd.s32 $0x200, v29  }
0x73: {  	v34 =	vadd.s32 $0x200, v41;
	v33 =	vadd.s32 $0x200, v31;
	v41 =	vld.idx.msk [tilespmem:v62+s2+$0x0], $0xffff;
	v54 =	vadd.s32 s2, v30  }
0x74: {  	v35 =	vadd.s32 $0x200, v32;
	v31 =	vadd.s32 $0x200, v42;
	v55 =	vadd.s32 s2, v33;
	v42 =	vld.idx.msk [tilespmem:v63+s2+$0x0], $0xffff  }
0x75: {  	s16 =	simm.s32 $0x200;
	v32 =	vadd.s32 $0x200, v43;
	v27 =	vadd.s32 $0x200, v47;
	v47 =	vadd.s32 s2, v35;
	v43 =	vld.idx.msk [tilespmem:v57+s2+$0x0], $0xffff  }
0x76: {  	s17 =	simm.s32 $0x400;
	s15 =	simm.s32 $0x0;
	s14 =	simm.s32 $0x8000;
	v25 =	vadd.s32 $0x200, v45;
	v45 =	vadd.s32 s2, v37;
	v29 =	vadd.s32 $0x200, v44;
	v44 =	vld.idx.msk [tilespmem:v58+s2+$0x0], $0xffff  }
.LBB2_2:
0x77: {  	p0 =	sne.s32 s17, $0x7E00;
	v56 =	vld.idx.msk [tilespmem:v56+s2+$0x0], $0xffff;
	v57 =	vadd.s32 s15, v36  }
0x78: {  	v58 =	vadd.s32 s15, v34;
	v54 =	vld.idx.msk [tilespmem:v54+s2+$0x0], $0xffff  }
0x79: {  	v59 =	vadd.s32 s15, v31;
	v55 =	vld.idx.msk [tilespmem:v55+s2+$0x0], $0xffff  }
0x7a: {  	v60 =	vadd.s32 s15, v32;
	v47 =	vld.idx.msk [tilespmem:v47+s2+$0x0], $0xffff  }
0x7b: {  	v50 =	vadd.f32 v50, v51;
	v51 =	vadd.f32 v53, v52;
	v52 =	vadd.s32 s15, v29;
	v45 =	vld.idx.msk [tilespmem:v45+s2+$0x0], $0xffff  }
0x7c: {  	v41 =	vadd.f32 v42, v41;
	v42 =	vadd.f32 v44, v43;
	v44 =	vadd.s32 s15, v27;
	v43 =	vld.idx.msk [tilespmem:v57+s2+$0x0], $0xffff  }
0x7d: {  	v48 =	vadd.f32 v48, v50;
	v49 =	vadd.f32 v49, v51;
	v51 =	vadd.s32 s15, v25;
	s15 =	smov.u32 s16;
	s16 =	smov.u32 s17;
	v50 =	vld.idx.msk [tilespmem:v58+s2+$0x0], $0xffff  }
0x7e: {  	v41 =	vadd.f32 v56, v41;
	v42 =	vadd.f32 v54, v42;
	v53 =	vld.idx.msk [tilespmem:v59+s2+$0x0], $0xffff  }
0x7f: {  	v40 =	vadd.f32 v40, v48;
	v46 =	vadd.f32 v46, v49;
	v48 =	vld.idx.msk [tilespmem:v60+s2+$0x0], $0xffff  }
0x80: {  	v41 =	vadd.f32 v55, v41;
	v42 =	vadd.f32 v47, v42;
	v47 =	vld.idx.msk [tilespmem:v52+s2+$0x0], $0xffff  }
0x81: {  	v38 =	vadd.f32 v38, v40;
	v39 =	vadd.f32 v39, v46;
	v40 =	vld.idx.msk [tilespmem:v44+s2+$0x0], $0xffff  }
0x82: {  	v41 =	vadd.f32 v45, v41;
	v42 =	vadd.f32 v43, v42;
	v43 =	vld.idx.msk [tilespmem:v51+s2+$0x0], $0xffff  }
0x83: {  	v19 =	vadd.f32 v19, v38;
	v21 =	vadd.f32 v21, v39  }
0x84: {  	v38 =	vadd.f32 v50, v41;
	v39 =	vadd.f32 v53, v42  }
0x85: {  	v10 =	vadd.f32 v10, v19;
	v12 =	vadd.f32 v12, v21  }
0x86: {  	v19 =	vadd.f32 v48, v38;
	v21 =	vadd.f32 v47, v39  }
0x87: {  	v0 =	vadd.f32 v0, v10;
	v1 =	vadd.f32 v1, v12  }
0x88: {  	v10 =	vadd.f32 v40, v19;
	v12 =	vadd.f32 v43, v21;
	_ =	sdelay $0x1  }
0x89: {  	v0 =	vadd.f32 v1, v0;
	v1 =	vadd.f32 v12, v10;
	_ =	sdelay $0x1  }
0x8a: {  	v10 =	vadd.s32 s15, v2;
	v0 =	vadd.f32 v1, v0  }
0x8b: {  	v1 =	vadd.s32 s15, v3  }
0x8c: {  	v12 =	vadd.s32 s15, v4;
	v0 =	vmul.f32 $1.767766920e-01, v0  }
0x8d: {  	s14 =	sadd.s32 $0x10, s14;
	v19 =	vadd.s32 s15, v5  }
0x8e: {  	v21 =	vadd.s32 s15, v6;
	[tilespmem:s14+$0x0] =	vst v0  }
0x8f: {  	v38 =	vadd.s32 s15, v7;
	v0 =	vld.idx.msk [tilespmem:v10+s2+$0x0], $0xffff  }
0x90: {  	v39 =	vadd.s32 s15, v8;
	v1 =	vld.idx.msk [tilespmem:v1+s2+$0x0], $0xffff  }
0x91: {  	v40 =	vadd.s32 s15, v9;
	v10 =	vld.idx.msk [tilespmem:v12+s2+$0x0], $0xffff  }
0x92: {  	v41 =	vadd.s32 s15, v11;
	v12 =	vld.idx.msk [tilespmem:v19+s2+$0x0], $0xffff  }
0x93: {  	v42 =	vadd.s32 s15, v13;
	v19 =	vld.idx.msk [tilespmem:v21+s2+$0x0], $0xffff  }
0x94: {  	v43 =	vadd.s32 s15, v14;
	v21 =	vld.idx.msk [tilespmem:v38+s2+$0x0], $0xffff  }
0x95: {  	v44 =	vadd.s32 s15, v15;
	v38 =	vld.idx.msk [tilespmem:v39+s2+$0x0], $0xffff  }
0x96: {  	v45 =	vadd.s32 s15, v16;
	v39 =	vld.idx.msk [tilespmem:v40+s2+$0x0], $0xffff  }
0x97: {  	v40 =	vld.idx.msk [tilespmem:v41+s2+$0x0], $0xffff;
	v41 =	vadd.s32 s15, v17  }
0x98: {  	v46 =	vld.idx.msk [tilespmem:v42+s2+$0x0], $0xffff;
	v42 =	vadd.s32 s15, v18  }
0x99: {  	v48 =	vld.idx.msk [tilespmem:v43+s2+$0x0], $0xffff;
	v43 =	vadd.s32 s15, v20  }
0x9a: {  	v49 =	vld.idx.msk [tilespmem:v44+s2+$0x0], $0xffff;
	v44 =	vadd.s32 s15, v22  }
0x9b: {  	v50 =	vld.idx.msk [tilespmem:v45+s2+$0x0], $0xffff;
	v45 =	vadd.s32 s15, v23  }
0x9c: {  	v47 =	vadd.s32 s15, v24;
	v51 =	vld.idx.msk [tilespmem:v41+s2+$0x0], $0xffff  }
0x9d: {  	v57 =	vadd.s32 s15, v26;
	v52 =	vld.idx.msk [tilespmem:v42+s2+$0x0], $0xffff  }
.Ltmp0:
0x9e: {  	v56 =	vadd.s32 s15, v28;
	v53 =	vld.idx.msk [tilespmem:v43+s2+$0x0], $0xffff;
	(pc) =	sbr.rel @p0 .LBB2_2-.Ltmp0, $4  }
0x9f: {  	v54 =	vadd.s32 s15, v30;
	v41 =	vld.idx.msk [tilespmem:v44+s2+$0x0], $0xffff  }
0xa0: {  	v55 =	vadd.s32 s15, v33;
	v42 =	vld.idx.msk [tilespmem:v45+s2+$0x0], $0xffff  }
0xa1: {  	v43 =	vld.idx.msk [tilespmem:v47+s2+$0x0], $0xffff;
	v47 =	vadd.s32 s15, v35  }
0xa2: {  	s17 =	sadd.s32 $0x200, s17;
	v45 =	vadd.s32 s15, v37;
	v44 =	vld.idx.msk [tilespmem:v57+s2+$0x0], $0xffff  }
0xa3: {  	_ =	sdelay $0x3  }
0xa4: {  	v2 =	vld.idx.msk [tilespmem:v56+s2+$0x0], $0xffff;
	v3 =	vadd.s32 s15, v36  }
0xa5: {  	v4 =	vld.idx.msk [tilespmem:v54+s2+$0x0], $0xffff;
	v5 =	vadd.s32 s15, v34  }
0xa6: {  	v6 =	vld.idx.msk [tilespmem:v55+s2+$0x0], $0xffff;
	v7 =	vadd.s32 s15, v31  }
0xa7: {  	v8 =	vld.idx.msk [tilespmem:v47+s2+$0x0], $0xffff;
	v9 =	vadd.s32 s15, v32;
	v11 =	vadd.f32 v50, v51;
	v13 =	vadd.f32 v53, v52  }
0xa8: {  	v14 =	vld.idx.msk [tilespmem:v45+s2+$0x0], $0xffff;
	v15 =	vadd.s32 s15, v29;
	v16 =	vadd.f32 v42, v41;
	v17 =	vadd.f32 v44, v43  }
0xa9: {  	v18 =	vadd.s32 s15, v27;
	v11 =	vadd.f32 v48, v11;
	v13 =	vadd.f32 v49, v13;
	v3 =	vld.idx.msk [tilespmem:v3+s2+$0x0], $0xffff  }
0xaa: {  	v20 =	vadd.s32 s15, v25;
	v5 =	vld.idx.msk [tilespmem:v5+s2+$0x0], $0xffff;
	v2 =	vadd.f32 v2, v16;
	v4 =	vadd.f32 v4, v17  }
0xab: {  	v11 =	vadd.f32 v40, v11;
	v13 =	vadd.f32 v46, v13;
	v7 =	vld.idx.msk [tilespmem:v7+s2+$0x0], $0xffff  }
0xac: {  	v9 =	vld.idx.msk [tilespmem:v9+s2+$0x0], $0xffff;
	v2 =	vadd.f32 v6, v2;
	v4 =	vadd.f32 v8, v4  }
0xad: {  	v56 =	vld.idx.msk [tilespmem:v15+s2+$0x0], $0xffff;
	v57 =	vadd.f32 v38, v11;
	v58 =	vadd.f32 v39, v13  }
0xae: {  	v59 =	vld.idx.msk [tilespmem:v18+s2+$0x0], $0xffff;
	v2 =	vadd.f32 v14, v2;
	v3 =	vadd.f32 v3, v4  }
0xaf: {  	v60 =	vld.idx.msk [tilespmem:v20+s2+$0x0], $0xffff;
	v8 =	vadd.f32 v19, v57;
	v11 =	vadd.f32 v21, v58  }
0xb0: {  	v2 =	vadd.f32 v5, v2;
	v3 =	vadd.f32 v7, v3  }
0xb1: {  	v61 =	vadd.f32 v10, v8;
	v62 =	vadd.f32 v12, v11  }
0xb2: {  	v2 =	vadd.f32 v9, v2;
	v3 =	vadd.f32 v56, v3  }
0xb3: {  	v0 =	vadd.f32 v0, v61;
	v1 =	vadd.f32 v1, v62  }
0xb4: {  	v2 =	vadd.f32 v59, v2;
	v3 =	vadd.f32 v60, v3;
	_ =	sdelay $0x1  }
0xb5: {  	v0 =	vadd.f32 v1, v0;
	v63 =	vadd.f32 v3, v2;
	_ =	sdelay $0x1  }
0xb6: {  	v0 =	vadd.f32 v63, v0;
	_ =	sdelay $0x1  }
0xb7: {  	s13 =	sadd.s32 $0x1, s13;
	v0 =	vmul.f32 $1.767766920e-01, v0  }
0xb8: {  	s14 =	sadd.s32 $0x10, s14;
	p0 =	sne.s32 s13, s6  }
.Ltmp1:
0xb9: {  	[tilespmem:s14+$0x0] =	vst v0;
	(pc) =	sbr.rel @p0 .LBB2_1-.Ltmp1, $4  }
0xba: {  	[hbm4b:s5+s9] =	stream.strided.scatter [tilespmem:s12], [sflag:$0x2], $0x400, s10, s9, $0x38;
	[tilespmem:$0x8600] =	vst v63  }
0xbb: {  	_ =	swait.ge [sflag:s8], $0x400  }
0xbc: {  	[sflag:s8] =	ssyncset.done $0x0  }
0xbd: {  	[sflag:s8] =	ssyncadd.s32 $0xFFFFFC00  }
0xbe: {  	_ =	sfence.sel $0x180000  }
0xbf: {  	[bflag:$0x0] =	sbarrier.arrive $0xFFFF  }
0xc0: {  	p0 =	sne.s32 s1, $0x0;
	_ =	strace $0x90000047  }
0xc1: {  	s0 =	sadd.s32 @!p0 $0x100000, s0;
	[bflag:$0x2] =	sbarrier.arrive $0xFFFF  }
0xc2: {  	[sflag:s0] =	ssyncadd.tile.s32 @!p0 $0x1;
	_ =	shalt  }
.Lfunc_end2:
_tile_overlayer_lowered:
.L_overlay_start_2:
0xc3: {  	(tag) =	ssettag $0x2  }
0xc4: {  	s0 =	rddreg [dreg:$0x0];
	s2 =	stileid.u32  }
0xc5: {  	s1 =	rddreg [dreg:$0x1];
	p0 =	sne.s32 s2, $0x0  }
0xc6: {  	s3 =	rddreg [dreg:$0x2];
	[bflag:$0x3] =	sbarrier.arrive $0xFFFF;
	s2 =	simm.s32 @!p0 $0x1C02  }
0xc7: {  	[timem:s3], [sflag:s2] =	dma.local @!p0 [hbm:s0], s1  }
0xc8: {  	s0 =	simm.s32 @!p0 $0x2  }
0xc9: {  	_ =	swait.ge @!p0 [sflag:s0], s1  }
0xca: {  	s1 =	ssub.s32 @!p0 $0x0, s1;
	[sflag:s0] =	ssyncset.done @!p0 $0x0  }
0xcb: {  	[sflag:s0] =	ssyncadd.s32 @!p0 s1  }
0xcc: {  	[bflag:$0x3] =	sbarrier.arrive $0xFFFF  }
0xcd: {  	_ =	shalt  }

</sc_bundles>
